<compile_context>
chip_gen: v7x
topology: tpu7x:2x2x1
jax: 0.10.2.dev20260603
libtpu: 0.0.44.dev20260713+nightly
codegen_flags: <defaults>
</compile_context>

<pallas_src>
import jax
import jax.numpy as jnp
from jax.experimental import pallas as pl


def _body(fm_ref, lm_ref, out_ref):
    v = fm_ref[:]
    c4 = jnp.concatenate([v[:, 0:2], v[:, 32:34]], axis=1)
    lm = lm_ref[0]
    x = lm[:, 0:1]
    y = lm[:, 1:2]
    gx = 2.0 * x / 31.0 - 1.0
    gy = 2.0 * y / 31.0 - 1.0
    ix = (gx + 1.0) * 0.5 * 31.0
    iy = (gy + 1.0) * 0.5 * 31.0
    ix = jnp.clip(ix, 0.0, 1.0)
    iy = jnp.clip(iy, 0.0, 1.0)
    wx0 = 1.0 - ix
    wy0 = 1.0 - iy
    w4 = jnp.concatenate([wy0 * wx0, wy0 * ix, iy * wx0, iy * ix], axis=1)
    out_ref[0] = jax.lax.dot_general(
        w4, c4, (((1,), (1,)), ((), ())), preferred_element_type=jnp.float32
    )


def kernel(feature_map, landmarks):
    B, C, H, W = feature_map.shape
    L = landmarks.shape[1]
    fm2 = feature_map.reshape(B * C, H * W)
    return pl.pallas_call(
        _body,
        grid=(B,),
        in_specs=[
            pl.BlockSpec((C, H * W), lambda b: (b, 0)),
            pl.BlockSpec((1, L, 2), lambda b: (b, 0, 0)),
        ],
        out_specs=pl.BlockSpec((1, L, C), lambda b: (b, 0, 0)),
        out_shape=jax.ShapeDtypeStruct((B, L, C), jnp.float32),
    )(fm2, landmarks)

# --- scband reference (transcript-rebuilt; emitter-appended) ---
"""Pipeline reference for scband-keypoint-feature-network-12343736009432 (READ-ONLY COPY).

The authoritative reference and input builder live on the scoring server;
editing this copy changes nothing except your own understanding.
"""

import jax, jax.numpy as jnp
import numpy as np


def setup_inputs(seed: int = 0) -> dict:
    key = jax.random.key(seed)
    k1, k2 = jax.random.split(key)
    feature_map = jax.random.normal(k1, (16, 2048, 32, 32), dtype=jnp.float32)
    landmarks = jax.random.uniform(k2, (16, 68, 2), dtype=jnp.float32)
    return {"feature_map": feature_map, "landmarks": landmarks}


def reference(feature_map, landmarks):
    B, C, H, W = feature_map.shape
    # normalize to [-1, 1] as in the torch module
    gx = 2.0 * landmarks[:, :, 0] / (W - 1) - 1.0
    gy = 2.0 * landmarks[:, :, 1] / (H - 1) - 1.0
    # grid_sample(align_corners=True): unnormalize back to pixel coords
    ix = (gx + 1.0) * 0.5 * (W - 1)
    iy = (gy + 1.0) * 0.5 * (H - 1)
    # padding_mode='border': clamp sample coordinates
    ix = jnp.clip(ix, 0.0, W - 1)
    iy = jnp.clip(iy, 0.0, H - 1)
    x0 = jnp.floor(ix)
    y0 = jnp.floor(iy)
    x1 = x0 + 1.0
    y1 = y0 + 1.0
    wx1 = ix - x0
    wx0 = 1.0 - wx1
    wy1 = iy - y0
    wy0 = 1.0 - wy1
    x0i = jnp.clip(x0, 0, W - 1).astype(jnp.int32)
    x1i = jnp.clip(x1, 0, W - 1).astype(jnp.int32)
    y0i = jnp.clip(y0, 0, H - 1).astype(jnp.int32)
    y1i = jnp.clip(y1, 0, H - 1).astype(jnp.int32)
    fmt = jnp.transpose(feature_map, (0, 2, 3, 1))  # (B, H, W, C)
    b_idx = jnp.arange(B)[:, None]  # (B, 1) broadcast over landmarks
    v00 = fmt[b_idx, y0i, x0i]  # (B, L, C)
    v01 = fmt[b_idx, y0i, x1i]
    v10 = fmt[b_idx, y1i, x0i]
    v11 = fmt[b_idx, y1i, x1i]
    out = ((wy0 * wx0)[..., None] * v00
           + (wy0 * wx1)[..., None] * v01
           + (wy1 * wx0)[..., None] * v10
           + (wy1 * wx1)[..., None] * v11)
    return out  # (B, 68, C), matches torch (B, L, C) after squeeze/transpose

if __name__ == "__main__":
    import jax
    _d = setup_inputs()
    print(jax.jit(kernel)(*tuple(_d.values())))

</pallas_src>

<mosaic_0001>
module attributes {stable_mosaic.version = 14 : i64} {
  func.func @_body(%arg0: i32, %arg1: memref<2048x1024xf32, #tpu.memory_space<vmem>>, %arg2: memref<1x68x2xf32, #tpu.memory_space<vmem>>, %arg3: memref<1x68x2048xf32, #tpu.memory_space<vmem>>) attributes {dimension_semantics = [#tpu.dimension_semantics<arbitrary>], iteration_bounds = array<i64: 16>, scalar_prefetch = 0 : i64, scratch_operands = 0 : i64, tpu.core_type = #tpu.core_type<tc>, window_params = [{transform_indices = @transform_0, window_bounds = array<i64: 2048, 1024>}, {transform_indices = @transform_1, window_bounds = array<i64: 1, 68, 2>}, {transform_indices = @transform_2, window_bounds = array<i64: 1, 68, 2048>}]} {
    %get3A = arith.constant 0 : index
    %get3A_0 = arith.constant 0 : index
    %get3A_1 = vector.load %arg1[%get3A, %get3A_0] : memref<2048x1024xf32, #tpu.memory_space<vmem>>, vector<2048x1024xf32>
    %slice3A = vector.extract_strided_slice %get3A_1 {offsets = [0, 0], sizes = [2048, 2], strides = [1, 1]} : vector<2048x1024xf32> to vector<2048x2xf32>
    %slice3A_2 = vector.extract_strided_slice %get3A_1 {offsets = [0, 32], sizes = [2048, 2], strides = [1, 1]} : vector<2048x1024xf32> to vector<2048x2xf32>
    %concatenate3A = tpu.concatenate %slice3A, %slice3A_2 in 1 : vector<2048x2xf32>, vector<2048x2xf32> -> vector<2048x4xf32>
    %get3A_3 = arith.constant 0 : index
    %get3A_4 = arith.constant 0 : index
    %get3A_5 = arith.constant 0 : index
    %get3A_6 = vector.load %arg2[%get3A_3, %get3A_4, %get3A_5] : memref<1x68x2xf32, #tpu.memory_space<vmem>>, vector<1x68x2xf32>
    %get3A_7 = vector.shape_cast %get3A_6 : vector<1x68x2xf32> to vector<68x2xf32>
    %slice3A_8 = vector.extract_strided_slice %get3A_7 {offsets = [0, 0], sizes = [68, 1], strides = [1, 1]} : vector<68x2xf32> to vector<68x1xf32>
    %slice3A_9 = vector.extract_strided_slice %get3A_7 {offsets = [0, 1], sizes = [68, 1], strides = [1, 1]} : vector<68x2xf32> to vector<68x1xf32>
    %mul3A = arith.constant 2.000000e+00 : f32
    %mul3A_10 = vector.broadcast %mul3A : f32 to vector<68x1xf32>
    %mul3A_11 = arith.mulf %mul3A_10, %slice3A_8 : vector<68x1xf32>
    %div3A = arith.constant 3.100000e+01 : f32
    %div3A_12 = vector.broadcast %div3A : f32 to vector<68x1xf32>
    %div3A_13 = arith.divf %mul3A_11, %div3A_12 : vector<68x1xf32>
    %sub3A = arith.constant 1.000000e+00 : f32
    %sub3A_14 = vector.broadcast %sub3A : f32 to vector<68x1xf32>
    %sub3A_15 = arith.subf %div3A_13, %sub3A_14 : vector<68x1xf32>
    %mul3A_16 = arith.constant 2.000000e+00 : f32
    %mul3A_17 = vector.broadcast %mul3A_16 : f32 to vector<68x1xf32>
    %mul3A_18 = arith.mulf %mul3A_17, %slice3A_9 : vector<68x1xf32>
    %div3A_19 = arith.constant 3.100000e+01 : f32
    %div3A_20 = vector.broadcast %div3A_19 : f32 to vector<68x1xf32>
    %div3A_21 = arith.divf %mul3A_18, %div3A_20 : vector<68x1xf32>
    %sub3A_22 = arith.constant 1.000000e+00 : f32
    %sub3A_23 = vector.broadcast %sub3A_22 : f32 to vector<68x1xf32>
    %sub3A_24 = arith.subf %div3A_21, %sub3A_23 : vector<68x1xf32>
    %add3A = arith.constant 1.000000e+00 : f32
    %add3A_25 = vector.broadcast %add3A : f32 to vector<68x1xf32>
    %add3A_26 = arith.addf %sub3A_15, %add3A_25 : vector<68x1xf32>
    %mul3A_27 = arith.constant 5.000000e-01 : f32
    %mul3A_28 = vector.broadcast %mul3A_27 : f32 to vector<68x1xf32>
    %mul3A_29 = arith.mulf %add3A_26, %mul3A_28 : vector<68x1xf32>
    %mul3A_30 = arith.constant 3.100000e+01 : f32
    %mul3A_31 = vector.broadcast %mul3A_30 : f32 to vector<68x1xf32>
    %mul3A_32 = arith.mulf %mul3A_29, %mul3A_31 : vector<68x1xf32>
    %add3A_33 = arith.constant 1.000000e+00 : f32
    %add3A_34 = vector.broadcast %add3A_33 : f32 to vector<68x1xf32>
    %add3A_35 = arith.addf %sub3A_24, %add3A_34 : vector<68x1xf32>
    %mul3A_36 = arith.constant 5.000000e-01 : f32
    %mul3A_37 = vector.broadcast %mul3A_36 : f32 to vector<68x1xf32>
    %mul3A_38 = arith.mulf %add3A_35, %mul3A_37 : vector<68x1xf32>
    %mul3A_39 = arith.constant 3.100000e+01 : f32
    %mul3A_40 = vector.broadcast %mul3A_39 : f32 to vector<68x1xf32>
    %mul3A_41 = arith.mulf %mul3A_38, %mul3A_40 : vector<68x1xf32>
    %jit3A = arith.constant 0.000000e+00 : f32
    %jit3A_42 = arith.constant 1.000000e+00 : f32
    %max3A = vector.broadcast %jit3A : f32 to vector<68x1xf32>
    %max3A_43 = arith.maximumf %max3A, %mul3A_32 : vector<68x1xf32>
    %min3A = vector.broadcast %jit3A_42 : f32 to vector<68x1xf32>
    %min3A_44 = arith.minimumf %min3A, %max3A_43 : vector<68x1xf32>
    %jit3A_45 = arith.constant 0.000000e+00 : f32
    %jit3A_46 = arith.constant 1.000000e+00 : f32
    %max3A_47 = vector.broadcast %jit3A_45 : f32 to vector<68x1xf32>
    %max3A_48 = arith.maximumf %max3A_47, %mul3A_41 : vector<68x1xf32>
    %min3A_49 = vector.broadcast %jit3A_46 : f32 to vector<68x1xf32>
    %min3A_50 = arith.minimumf %min3A_49, %max3A_48 : vector<68x1xf32>
    %sub3A_51 = arith.constant 1.000000e+00 : f32
    %sub3A_52 = vector.broadcast %sub3A_51 : f32 to vector<68x1xf32>
    %sub3A_53 = arith.subf %sub3A_52, %min3A_44 : vector<68x1xf32>
    %sub3A_54 = arith.constant 1.000000e+00 : f32
    %sub3A_55 = vector.broadcast %sub3A_54 : f32 to vector<68x1xf32>
    %sub3A_56 = arith.subf %sub3A_55, %min3A_50 : vector<68x1xf32>
    %mul3A_57 = arith.mulf %sub3A_56, %sub3A_53 : vector<68x1xf32>
    %mul3A_58 = arith.mulf %sub3A_56, %min3A_44 : vector<68x1xf32>
    %mul3A_59 = arith.mulf %min3A_50, %sub3A_53 : vector<68x1xf32>
    %mul3A_60 = arith.mulf %min3A_50, %min3A_44 : vector<68x1xf32>
    %concatenate3A_61 = tpu.concatenate %mul3A_57, %mul3A_58, %mul3A_59, %mul3A_60 in 1 : vector<68x1xf32>, vector<68x1xf32>, vector<68x1xf32>, vector<68x1xf32> -> vector<68x4xf32>
    %dot_general3A = arith.constant dense<0.000000e+00> : vector<68x2048xf32>
    %dot_general3A_62 = tpu.matmul %concatenate3A_61, %concatenate3A, %dot_general3A {dimension_numbers = #tpu.dot_dimension_numbers<[1], [1], [0], [0], [0, 0, 1, 0], [], []>, transpose_lhs_hint = false} : vector<68x4xf32>, vector<2048x4xf32>, vector<68x2048xf32> -> vector<68x2048xf32>
    %swap3A = arith.constant 0 : index
    %swap3A_63 = arith.constant 0 : index
    %swap3A_64 = arith.constant 0 : index
    %swap3A_65 = vector.load %arg3[%swap3A, %swap3A_63, %swap3A_64] : memref<1x68x2048xf32, #tpu.memory_space<vmem>>, vector<1x68x2048xf32>
    %swap3A_66 = vector.shape_cast %swap3A_65 : vector<1x68x2048xf32> to vector<68x2048xf32>
    %swap3A_67 = vector.shape_cast %dot_general3A_62 : vector<68x2048xf32> to vector<1x68x2048xf32>
    tpu.vector_store %arg3[%swap3A, %swap3A_63, %swap3A_64], %swap3A_67 {strides = array<i32>} : memref<1x68x2048xf32, #tpu.memory_space<vmem>>, vector<1x68x2048xf32>,
    return
  }
  func.func @transform_0(%arg0: i32) -> (i32, i32) {
    %c0_i32 = arith.constant 0 : i32
    %c0_i32_0 = arith.constant 0 : i32
    return %arg0, %c0_i32 : i32, i32
  }
  func.func @transform_1(%arg0: i32) -> (i32, i32, i32) {
    %c0_i32 = arith.constant 0 : i32
    %c0_i32_0 = arith.constant 0 : i32
    %c0_i32_1 = arith.constant 0 : i32
    return %arg0, %c0_i32, %c0_i32_0 : i32, i32, i32
  }
  func.func @transform_2(%arg0: i32) -> (i32, i32, i32) {
    %c0_i32 = arith.constant 0 : i32
    %c0_i32_0 = arith.constant 0 : i32
    %c0_i32_1 = arith.constant 0 : i32
    return %arg0, %c0_i32, %c0_i32_0 : i32, i32, i32
  }
}

</mosaic_0001>

<sc_bundles>
// kernel: sparse-core-data-format-call.cloned.1.call-start
scs
called_computation_lowered:
.L_overlay_start_0:
0x0: {  	s1 =	sld [smem:$0x3FD9]  }
0x1: {  	s2 =	sld [smem:$0x3FFE];
	_ =	sdelay $0x1  }
0x2: {  	s3 =	srdreg.scid  }
0x3: {  	s0 =	sand.u32 $0x1, s3  }
0x4: {  	s17 =	sshll.u32 s0, $0xA;
	s1 =	sadd.s32 s2, s1  }
0x5: {  	s1 =	sadd.s32 s1, s17  }
0x6: {  	[smem:$0x3FC6] =	sst s1  }
0x7: {  	_ = 	snop  }
0x8: {  	(tm) =	ssettm $0x1  }
0x9: {  	s18 =	sld [smem:$0x3FFB];
	_ =	sdelay $0x3  }
0xa: {  	_ =	strace s18  }
0xb: {  	s1 =	sld [smem:$0x3FFC];
	_ =	sdelay $0x3  }
0xc: {  	_ =	strace s1  }
0xd: {  	s1 =	sld [smem:$0x3FFD];
	_ =	sdelay $0x3  }
0xe: {  	_ =	strace s1  }
0xf: {  	_ =	strace $0x8FFFFFFF  }
0x10: {  	s19 =	sld [smem:$0x3FDB];
	_ =	sdelay $0x1  }
0x11: {  	s20 =	simm.s32 $_scs_section_size  }
0x12: {  	s4 =	simm.s32 $_size__tile_overlayer_lowered;
	s5 =	simm.s32 $_tile_overlayer_lowered  }
0x13: {  	s23 =	simm.s32 $0x1BFF;
	s22 =	sshll.u32 s5, $0x1;
	s1 =	sadd.s32 s20, s19  }
0x14: {  	s6 =	simm.s32 $0x0;
	s21 =	sshll.u32 s4, $0x1;
	s4 =	sadd.s32 s22, s1  }
0x15: {  	[timem:s6], [sflag:s23] =	dma.local [hbm:s4], s21  }
0x16: {  	_ =	swait.ge [sflag:s23], s21  }
0x17: {  	s2 =	ssub.s32 $0x0, s21;
	[sflag:s23] =	ssyncset.done $0x0  }
0x18: {  	[sflag:s23] =	ssyncadd.s32 s2;
	_ =	sdelay $0x1  }
0x19: {  	s24 =	simm.s32 $0x1B8B  }
0x1a: {  	_ =	swait.ge [sflag:s24], $0x1  }
0x1b: {  	[sflag:s24] =	ssyncset.done $0x0  }
0x1c: {  	s26 =	simm.s32 $0x1B8E;
	s25 =	sld [smem:$0x3FFE];
	[sflag:s24] =	ssyncadd.s32 $0xFFFFFFFF  }
0x1d: {  	s27 =	simm.s32 $execute0_lowered;
	[smem:$0x3FD2] =	sst s26  }
0x1e: {  	s4 =	sshll.u32 s27, $0x1;
	_ =	strace $0x80000046;
	[dreg:$0x1] =	wrdreg $0xFFFFFFFF  }
0x1f: {  	s28 =	simm.s32 $_size_execute0_lowered;
	s1 =	sadd.s32 s1, s4;
	[dreg:$0x0] =	wrdreg $0x0  }
0x20: {  	s4 =	sshll.u32 s28, $0x1;
	[dreg:$0x2] =	wrdreg s1  }
0x21: {  	[dreg:$0x3] =	wrdreg s4  }
0x22: {  	[dreg:$0x4] =	wrdreg $0xC0  }
0x23: {  	_ =	task [dreg:s6], $0x5FFFF  }
0x24: {  	[dreg:$0x1] =	wrdreg $0xFFFFFFFF  }
0x25: {  	[dreg:$0x0] =	wrdreg $0x60  }
0x26: {  	[dreg:$0x2] =	wrdreg s25  }
0x27: {  	[dreg:$0x3] =	wrdreg $0x9  }
0x28: {  	_ =	task.clear_ibuf [dreg:s6], $0x4FFFF;
	_ =	strace $0x90000046  }
0x29: {  	s29 =	simm.s32 $0x9;
	_ =	strace $0x80000048  }
0x2a: {  	_ =	swait.ge [sflag:s29], $0x1  }
0x2b: {  	[sflag:s29] =	ssyncadd.s32 $0xFFFFFFFF  }
0x2c: {  	_ =	strace $0x90000048  }
0x2d: {  	_ =	sfence  }
0x2e: {  	s30 =	sld [smem:$0x0];
	_ =	sdelay $0x2  }
0x2f: {  	s31 =	sshll.u32 s3, $0xD;
	s3 =	sshrl.u32 s3, $0x2  }
0x30: {  	s2 =	sand.u32 $0x4000, s31;
	s1 =	sadd.s32 s3, s30  }
0x31: {  	s0 =	sor.u32 s2, s0;
	s1 =	sshll.u32 s1, $0x11  }
0x32: {  	s0 =	sor.u32 s1, s0  }
0x33: {  	s0 =	sadd.s32 $0x8F2B, s0  }
0x34: {  	[sflag:s0] =	ssyncadd.remote.s32 $0x1  }
0x35: {  	_ =	sfence.sel $0xFFFF  }
0x36: {  	[dreg:$0x0] =	wrdreg $0xFFFFFFFF;
	(pc) =	sbr.abs _section_cstart, $3  }
0x37: {  	[dreg:$0x1] =	wrdreg $0xFFFFFFFF  }
0x38: {  	_ =	task.clear_ibuf [dreg:s6], $0x2FFFF;
	_ =	strace $0x9FFFFFFF  }
0x39: {  	(tm) =	ssettm $0x7FFFFFFF  }
tec
execute0_lowered:
.L_overlay_start_1:
0x0: {  	(tag) =	ssettag $0x1  }
0x1: {  	s1 =	rddreg [dreg:$0x0]  }
0x2: {  	s0 =	rddreg [dreg:$0x1];
	_ =	strace $0x80000047  }
0x3: {  	s4 =	srdreg.scid;
	s6 =	simm.s32 $0x2;
	s12 =	simm.s32 $0x0  }
0x4: {  	p0 =	por $0x0, $0x0;
	s13 =	simm.s32 $0x0;
	s15 =	simm.s32 $0x0  }
0x5: {  	s14 =	simm.s32 $0x0;
	s8 =	simm.s32 $0x0;
	s9 =	simm.s32 $0x0  }
.Ltmp0:
0x6: {  	s10 =	simm.s32 $0x0;
	s7 =	simm.s32 $0x0;
	(pc) =	sbr.rel .LBB1_1-.Ltmp0, $4  }
0x7: {  	s2 =	sadd.s32 $0x600, s1;
	s3 =	sadd.s32 $0x400600, s1;
	s5 =	sshll.u32 s4, $0x4  }
0x8: {  	s1 =	stileid.u32;
	s4 =	simm.s32 $0x1;
	s5 =	sand.u32 $0x10, s5  }
0x9: {  	s21 =	simm.s32 $0x0;
	[sflag:s4] =	ssyncpa.u1 $0x0;
	s5 =	sor.u32 s1, s5  }
0xa: {  	[sflag:s6] =	ssyncpa.u1 $0x0;
	s6 =	simm.s32 $0x4000;
	s11 =	smov.u32 s5  }
.LBB1_7:
0xb: {  	s16 =	sadd.s32 $0x100, s8  }
0xc: {  	s12 =	sadd.s32 $0x8, s9;
	s17 =	smov.u32 s9;
	p2 =	sgt.s32 s16, $0x7FF  }
0xd: {  	s17 =	smov.u32 @p2 s12  }
0xe: {  	s18 =	smov.u32 s10;
	s12 =	sadd.s32 $0x8, s10;
	p3 =	sgt.s32 s17, $0xF  }
0xf: {  	s18 =	smov.u32 @p3 s12  }
0x10: {  	s19 =	smov.u32 s11;
	s12 =	sadd.s32 $0x20, s11;
	p4 =	sgt.s32 s18, $0x7  }
0x11: {  	p1 =	slt.u32 s7, $0x2;
	s19 =	smov.u32 @p4 s12  }
0x12: {  	s7 =	sadd.s32 $0x1, s7;
	s16 =	simm.s32 @p2 $0x0;
	p2 =	sgt.s32 s19, $0x7F  }
0x13: {  	s20 =	simm.s32 @!p1 $0x2;
	s19 =	smov.u32 @p2 s5;
	p2 =	sne.s32 s7, $0x42  }
.Ltmp1:
0x14: {  	s13 =	smov.u32 s9;
	_ =	swait.ge @!p1 [sflag:s20], $0x4000;
	(pc) =	sbr.rel @!p2 .LBB1_8-.Ltmp1, $4  }
0x15: {  	s15 =	smov.u32 s10;
	s14 =	smov.u32 s11;
	[sflag:s20] =	ssyncset.done @!p1 $0x0  }
0x16: {  	p0 =	por !p0, !p0;
	s17 =	simm.s32 @p3 $0x0;
	[sflag:s20] =	ssyncadd.s32 @!p1 $0xFFFFC000  }
0x17: {  	s9 =	smov.u32 s17;
	s18 =	simm.s32 @p4 $0x0;
	s12 =	smov.u32 s8  }
0x18: {  	s8 =	smov.u32 s16;
	s10 =	smov.u32 s18;
	s11 =	smov.u32 s19  }
.LBB1_1:
0x19: {  	p1 =	sgt.u32 s7, $0x3F  }
0x1a: {  	s16 =	sxor.u32 @!p1 $0xFFFFFFFF, s7;
	s17 =	sand.u32 @!p1 $0x78, s8  }
0x1b: {  	s18 =	sshll.u32 @!p1 s9, $0x7;
	s19 =	sshll.u32 @!p1 s9, $0xB;
	s20 =	sshll.u32 @!p1 s8, $0x3  }
0x1c: {  	s16 =	sshll.u32 @!p1 s16, $0xE;
	s18 =	sand.u32 @!p1 $0x380, s18;
	s19 =	sand.u32 @!p1 $0x4000, s19  }
0x1d: {  	s16 =	sand.u32 @!p1 $0x4000, s16;
	s17 =	sor.u32 @!p1 s18, s17;
	s18 =	sand.u32 @!p1 $0x400, s20  }
0x1e: {  	s19 =	sadd.s32 @!p1 s19, s20;
	s17 =	sor.u32 @!p1 s18, s17;
	s18 =	sshll.u32 @!p1 s11, $0xF  }
0x1f: {  	s20 =	sshll.u32 @!p1 s10, $0xC;
	s19 =	sshrl.u32 @!p1 s19, $0x3;
	s18 =	sadd.s32 @!p1 s2, s18  }
0x20: {  	s19 =	sand.u32 @!p1 $0xF00, s19;
	s18 =	sadd.s32 @!p1 s20, s18;
	s20 =	sand.u32 @!p1 $0x7, s8  }
0x21: {  	s17 =	sshrl.u32 @!p1 s17, $0x3;
	s18 =	sadd.s32 @!p1 s19, s18;
	s19 =	sshll.u32 @!p1 s20, $0x12  }
0x22: {  	s17 =	sadd.s32 @!p1 s17, s18;
	s18 =	sor.u32 @!p1 $0x800, s19;
	s19 =	simm.s32 @!p1 $0x8000  }
0x23: {  	[tilespmem:s16], [sflag:$0x1] =	stream.strided.gather @!p1 [hbm4b:s17+s18], $0x4000, s19, s18, $0x38;
	[tilespmem:$0x10000] =	vst v63  }
0x24: {  	p1 =	seq.s32 s7, $0x0  }
0x25: {  	p2 =	seq.s32 @!p1 s7, $0x41  }
0x26: {  	p1 =	por p1, p2  }
.Ltmp2:
0x27: {  	_ = 	snop;
	(pc) =	sbr.rel @p1 .LBB1_7-.Ltmp2, $1  }
0x28: {  	_ =	sdelay $0x3  }
0x29: {  	s16 =	simm.s32 $0x1  }
0x2a: {  	_ =	swait.ge [sflag:s4], $0x4000;
	s31 =	sshll.u32 s7, $0xE;
	p1 =	por $0x0, $0x0  }
0x2b: {  	s22 =	simm.s32 $0x0;
	s23 =	simm.s32 $0x0;
	s16 =	simm.s32 @!p0 $0x0  }
0x2c: {  	[sflag:s4] =	ssyncset.done $0x0;
	s19 =	sand.u32 $0x4000, s31;
	s16 =	sshll.u32 s16, $0x10  }
0x2d: {  	[sflag:s4] =	ssyncadd.s32 $0xFFFFC000;
	s20 =	sshrl.u32 s16, $0x2;
	s16 =	sor.u32 $0x8000, s19  }
0x2e: {  	s17 =	sor.u32 $0x40, s20;
	s18 =	sor.u32 $0x8410, s20;
	s20 =	sadd.s32 $0x8400, s20  }
.LBB1_3:
0x2f: {  	v1 =	vld [tilespmem:s17+$0xFFFFFFD0]  }
0x30: {  	v2 =	vld [tilespmem:s17+$0x430]  }
0x31: {  	s24 =	sshll.u32 s23, $0xB;
	v4 =	vld [tilespmem:s17+$0xFFFFFFE0]  }
0x32: {  	v7 =	vld [tilespmem:s17+$0xFFFFFFF0];
	v0 =	vmov s24  }
0x33: {  	v8 =	vld [tilespmem:s17+$0x0]  }
0x34: {  	s30 =	sand.u32 $0x300, s21;
	v9 =	vld [tilespmem:s17+$0x10]  }
0x35: {  	s25 =	sand.u32 $0x80, s21;
	v10 =	vld [tilespmem:s17+$0x20];
	s24 =	sadd.s32 s30, s19  }
0x36: {  	v11 =	vld [tilespmem:s17+$0x30];
	s24 =	sadd.s32 s25, s24;
	s25 =	simm.s32 $0x1;
	[tilespmem:s18+$0x60] =	vst v2  }
0x37: {  	s31 =	sshll.u32 s22, $0x2;
	s25 =	simm.s32 @!p1 $0x0;
	[tilespmem:s18+$0xFFFFFC00] =	vst v1;
	v3 =	vld.idx.msk [tilespmem:v0+s24+$0x400 ss:$0x1], $0xffff  }
0x38: {  	v6 =	vld [tilespmem:s17+$0x3D0];
	s25 =	sshll.u32 s25, $0x9;
	[tilespmem:s18+$0xFFFFFC10] =	vst v4;
	s24 =	sand.u32 $0xFFFFFC00, s31  }
0x39: {  	v5 =	vld [tilespmem:s17+$0x3E0];
	[tilespmem:s18+$0xFFFFFC20] =	vst v7;
	s24 =	sor.u32 s25, s24  }
0x3a: {  	[tilespmem:s18+$0xFFFFFC30] =	vst v8;
	v4 =	vld [tilespmem:s17+$0x400];
	s24 =	sshrl.u32 s24, $0x2  }
0x3b: {  	[tilespmem:s18+$0xFFFFFC40] =	vst v9;
	v1 =	vld [tilespmem:s17+$0x410];
	s24 =	sadd.s32 s24, s20  }
0x3c: {  	[tilespmem:s24+$0x0] =	vst v3;
	v3 =	vld [tilespmem:s17+$0x3F0]  }
0x3d: {  	s28 =	simm.s32 $0x80;
	s27 =	simm.s32 $0x100;
	[tilespmem:s18+$0xFFFFFC50] =	vst v10;
	v2 =	vld [tilespmem:s17+$0x420]  }
0x3e: {  	s26 =	smov.u32 s18;
	s29 =	sand.u32 $0x300, s28;
	v7 =	vld [tilespmem:s17+$0xFFFFFFC0];
	[tilespmem:s18+$0xFFFFFC60] =	vst v11;
	s25 =	sadd.s32 $0x80, s17  }
.LBB1_4:
0x3f: {  	p2 =	sne.s32 s27, $0x380;
	v8 =	vld [tilespmem:s25+$0xFFFFFFD0];
	s28 =	sand.u32 $0x80, s28;
	s29 =	sadd.s32 s29, s19;
	[tilespmem:s26+$0x0] =	vst v6  }
0x40: {  	s29 =	sadd.s32 s28, s29;
	v6 =	vld [tilespmem:s25+$0x430];
	[tilespmem:s26+$0x10] =	vst v5;
	s28 =	smov.u32 s27  }
0x41: {  	v5 =	vld.idx.msk [tilespmem:v0+s29+$0x400 ss:$0x1], $0xffff;
	[tilespmem:s26+$0x20] =	vst v3  }
0x42: {  	v3 =	vld [tilespmem:s25+$0xFFFFFFE0];
	[tilespmem:s26+$0x30] =	vst v4  }
0x43: {  	v4 =	vld [tilespmem:s25+$0xFFFFFFF0];
	[tilespmem:s26+$0xFFFFFBF0] =	vst v7  }
0x44: {  	v7 =	vld [tilespmem:s25+$0x0];
	[tilespmem:s26+$0x40] =	vst v1  }
0x45: {  	v1 =	vld [tilespmem:s25+$0x10];
	[tilespmem:s26+$0x50] =	vst v2;
	s26 =	sadd.s32 $0x800, s26  }
0x46: {  	s24 =	sadd.s32 $0x800, s24;
	v2 =	vld [tilespmem:s25+$0x20];
	[tilespmem:s26+$0x60] =	vst v6  }
0x47: {  	v9 =	vld [tilespmem:s25+$0x30];
	[tilespmem:s24+$0x0] =	vst v5  }
0x48: {  	[tilespmem:s26+$0xFFFFFC00] =	vst v8;
	v6 =	vld [tilespmem:s25+$0x3D0]  }
0x49: {  	[tilespmem:s26+$0xFFFFFC10] =	vst v3;
	v5 =	vld [tilespmem:s25+$0x3E0]  }
.Ltmp3:
0x4a: {  	[tilespmem:s26+$0xFFFFFC20] =	vst v4;
	v3 =	vld [tilespmem:s25+$0x3F0];
	(pc) =	sbr.rel @p2 .LBB1_4-.Ltmp3, $4  }
0x4b: {  	[tilespmem:s26+$0xFFFFFC30] =	vst v7;
	v4 =	vld [tilespmem:s25+$0x400]  }
0x4c: {  	[tilespmem:s26+$0xFFFFFC40] =	vst v1;
	v1 =	vld [tilespmem:s25+$0x410]  }
0x4d: {  	[tilespmem:s26+$0xFFFFFC50] =	vst v2;
	v2 =	vld [tilespmem:s25+$0x420]  }
0x4e: {  	s27 =	sadd.s32 $0x80, s27;
	s29 =	sand.u32 $0x300, s28;
	v7 =	vld [tilespmem:s25+$0xFFFFFFC0];
	[tilespmem:s26+$0xFFFFFC60] =	vst v9;
	s25 =	sadd.s32 $0x80, s25  }
0x4f: {  	[tilespmem:s26+$0x0] =	vst v6  }
0x50: {  	[tilespmem:s26+$0x10] =	vst v5  }
0x51: {  	v49 =	vld [tilespmem:s25+$0x430];
	[tilespmem:s26+$0x20] =	vst v3  }
0x52: {  	v50 =	vld [tilespmem:s25+$0xFFFFFFD0];
	[tilespmem:s26+$0x30] =	vst v4  }
0x53: {  	v51 =	vld [tilespmem:s25+$0xFFFFFFE0];
	[tilespmem:s26+$0x40] =	vst v1  }
0x54: {  	v52 =	vld [tilespmem:s25+$0xFFFFFFF0];
	[tilespmem:s26+$0x50] =	vst v2  }
0x55: {  	s31 =	sadd.s32 $0x800, s26;
	v53 =	vld [tilespmem:s25+$0x0];
	[tilespmem:s26+$0xFFFFFBF0] =	vst v7  }
0x56: {  	v54 =	vld [tilespmem:s25+$0x10];
	[tilespmem:s31+$0x60] =	vst v49  }
0x57: {  	v55 =	vld [tilespmem:s25+$0x20];
	[tilespmem:s31+$0xFFFFFC00] =	vst v50  }
0x58: {  	v56 =	vld [tilespmem:s25+$0x30];
	[tilespmem:s31+$0xFFFFFC10] =	vst v51  }
0x59: {  	v57 =	vld [tilespmem:s25+$0x3D0];
	[tilespmem:s31+$0xFFFFFC20] =	vst v52  }
0x5a: {  	v58 =	vld [tilespmem:s25+$0x3E0];
	[tilespmem:s31+$0xFFFFFC30] =	vst v53  }
0x5b: {  	v59 =	vld [tilespmem:s25+$0x3F0];
	[tilespmem:s31+$0xFFFFFC40] =	vst v54  }
0x5c: {  	v60 =	vld [tilespmem:s25+$0x400];
	[tilespmem:s31+$0xFFFFFC50] =	vst v55  }
0x5d: {  	v61 =	vld [tilespmem:s25+$0xFFFFFFC0];
	[tilespmem:s31+$0xFFFFFC60] =	vst v56  }
0x5e: {  	s27 =	sand.u32 $0x80, s28;
	s30 =	sadd.s32 s29, s19;
	v62 =	vld [tilespmem:s25+$0x410];
	[tilespmem:s31+$0x0] =	vst v57  }
0x5f: {  	v63 =	vld [tilespmem:s25+$0x420];
	s23 =	sadd.s32 $0x1, s23;
	s27 =	sadd.s32 s27, s30;
	[tilespmem:s31+$0x10] =	vst v58  }
0x60: {  	p2 =	sne.s32 s23, $0x8;
	v0 =	vld.idx.msk [tilespmem:v0+s27+$0x400 ss:$0x1], $0xffff;
	[tilespmem:s31+$0x20] =	vst v59  }
.Ltmp4:
0x61: {  	[tilespmem:s31+$0x30] =	vst v60;
	(pc) =	sbr.rel @p2 .LBB1_3-.Ltmp4, $4  }
0x62: {  	[tilespmem:s31+$0xFFFFFBF0] =	vst v61  }
0x63: {  	[tilespmem:s31+$0x40] =	vst v62  }
0x64: {  	s24 =	sadd.s32 $0x800, s24;
	s17 =	sadd.s32 $0x800, s17;
	[tilespmem:s31+$0x50] =	vst v63  }
0x65: {  	s22 =	sadd.s32 $0x80, s22;
	p1 =	por !p1, !p1;
	s18 =	sadd.s32 $0x80, s18;
	[tilespmem:s24+$0x0] =	vst v0  }
0x66: {  	s15 =	sshll.u32 s15, $0x7;
	s17 =	sand.u32 $0x78, s12  }
0x67: {  	s18 =	sshll.u32 s12, $0x3;
	s14 =	sshll.u32 s14, $0xF;
	s13 =	sshll.u32 s13, $0xB  }
0x68: {  	s29 =	sand.u32 $0x700, s12;
	s15 =	sand.u32 $0x380, s15;
	s18 =	sand.u32 $0x400, s18  }
.Ltmp5:
0x69: {  	s14 =	sadd.s32 s3, s14;
	s15 =	sor.u32 s15, s17;
	(pc) =	sbr.rel .LBB1_7-.Ltmp5, $4  }
0x6a: {  	s30 =	sand.u32 $0x7, s12;
	s13 =	sadd.s32 s13, s14;
	s15 =	sor.u32 s18, s15  }
0x6b: {  	s12 =	sshll.u32 s30, $0x12;
	s13 =	sadd.s32 s29, s13;
	s31 =	sshrl.u32 s15, $0x3  }
0x6c: {  	s12 =	sor.u32 $0x800, s12;
	s13 =	sadd.s32 s31, s13  }
0x6d: {  	[hbm4b:s13+s12] =	stream.strided.scatter [tilespmem:s16], [sflag:$0x2], $0x4000, s6, s12, $0x38;
	[tilespmem:$0x10000] =	vst v63  }
.LBB1_8:
0x6e: {  	_ =	sfence.sel $0x180000  }
0x6f: {  	s2 =	simm.s32 $0x1;
	[bflag:$0x0] =	sbarrier.arrive $0xFFFF  }
0x70: {  	s31 =	simm.s32 $0x2;
	[sflag:s2] =	ssyncpa.u1 $0x1  }
0x71: {  	[sflag:s31] =	ssyncpa.u1 $0x1  }
0x72: {  	p0 =	sne.s32 s1, $0x0;
	_ =	strace $0x90000047  }
0x73: {  	s0 =	sadd.s32 @!p0 $0x100000, s0;
	[bflag:$0x2] =	sbarrier.arrive $0xFFFF  }
0x74: {  	[sflag:s0] =	ssyncadd.tile.s32 @!p0 $0x1;
	_ =	shalt  }
.Lfunc_end1:
_tile_overlayer_lowered:
.L_overlay_start_2:
0x75: {  	(tag) =	ssettag $0x2  }
0x76: {  	s0 =	rddreg [dreg:$0x0];
	s2 =	stileid.u32  }
0x77: {  	s1 =	rddreg [dreg:$0x1];
	p0 =	sne.s32 s2, $0x0  }
0x78: {  	s3 =	rddreg [dreg:$0x2];
	[bflag:$0x3] =	sbarrier.arrive $0xFFFF;
	s2 =	simm.s32 @!p0 $0x1C01  }
0x79: {  	[timem:s3], [sflag:s2] =	dma.local @!p0 [hbm:s0], s1  }
0x7a: {  	s0 =	simm.s32 @!p0 $0x1  }
0x7b: {  	_ =	swait.ge @!p0 [sflag:s0], s1  }
0x7c: {  	s1 =	ssub.s32 @!p0 $0x0, s1;
	[sflag:s0] =	ssyncset.done @!p0 $0x0  }
0x7d: {  	[sflag:s0] =	ssyncadd.s32 @!p0 s1  }
0x7e: {  	[bflag:$0x3] =	sbarrier.arrive $0xFFFF  }
0x7f: {  	_ =	shalt  }

</sc_bundles>
